<compile_context>
chip_gen: v7x
topology: tpu7x:2x2x1
jax: 0.10.2.dev20260603
libtpu: 0.0.44.dev20260713+nightly
codegen_flags: <defaults>
</compile_context>

<pallas_src>
import jax
import jax.numpy as jnp
from jax.experimental import pallas as pl
from jax.experimental.pallas import tpu as pltpu

_BS, _N, _D, _K = 8, 4096, 64, 512
_MAX_ITER = 8
_SEED = 123
_NCHUNK = 4096
_BPG = 2


def _init_centers_like_ref(x):
    key = jax.random.key(_SEED)
    keys = jax.random.split(key, _BS)

    def pick(xi, k):
        idx = jax.random.choice(k, _N, shape=(_K,), replace=False)
        return jnp.take(xi, idx, axis=0)

    return jax.vmap(pick)(x, keys)


def _kmeans_body(x_ref, c0_ref, labels_ref, centers_ref, inertia_ref):
    iota_sub = jax.lax.broadcasted_iota(
        jnp.int32, (_K, _NCHUNK), 0).astype(jnp.float32)
    ones_col = jnp.ones((_NCHUNK, 1), jnp.float32)

    xs = [x_ref[b] for b in range(_BPG)]
    x2rs = [jnp.sum(xb * xb, axis=1, keepdims=True).T for xb in xs]

    def assign_chunk(b, s, centers2, c2):
        xw = xs[b][s * _NCHUNK:(s + 1) * _NCHUNK]
        mm = jax.lax.dot_general(
            centers2, xw, (((1,), (1,)), ((), ())),
            preferred_element_type=jnp.float32)
        t = (x2rs[b][:, s * _NCHUNK:(s + 1) * _NCHUNK] + c2) - mm
        tmin = jnp.min(t, axis=0, keepdims=True)
        d2min = jnp.maximum(tmin, 0.0)
        mask = t <= d2min
        wi = jnp.where(mask, iota_sub, jnp.float32(_K))
        labels = jnp.min(wi, axis=0, keepdims=True)
        onehot_t = (wi == labels).astype(jnp.float32)
        return xw, d2min, labels, onehot_t

    def step_one(b, centers):
        c2 = jnp.sum(centers * centers, axis=1, keepdims=True)
        centers2 = centers + centers
        sums_aug = jnp.zeros((_K, _D + 1), jnp.float32)
        for s in range(_N // _NCHUNK):
            xw, _, _, onehot_t = assign_chunk(b, s, centers2, c2)
            xw_aug = jnp.concatenate([xw, ones_col], axis=1)
            sums_aug = sums_aug + jnp.dot(
                onehot_t, xw_aug, preferred_element_type=jnp.float32)
        sums = sums_aug[:, :_D]
        counts = sums_aug[:, _D:]
        new_centers = sums / jnp.maximum(counts, 1.0)
        return jnp.where(counts > 0, new_centers, centers)

    def body(_, cs):
        return tuple(step_one(b, cs[b]) for b in range(_BPG))

    centers_t = jax.lax.fori_loop(
        0, _MAX_ITER, body, tuple(c0_ref[b] for b in range(_BPG)))

    for b in range(_BPG):
        centers = centers_t[b]
        c2 = jnp.sum(centers * centers, axis=1, keepdims=True)
        centers2 = centers + centers
        acc = jnp.zeros((), jnp.float32)
        for s in range(_N // _NCHUNK):
            _, d2min, labels, _ = assign_chunk(b, s, centers2, c2)
            labels_ref[b, 0, pl.ds(s * _NCHUNK, _NCHUNK)] = (
                labels.astype(jnp.int32).reshape(_NCHUNK))
            acc = acc + jnp.sum(d2min)
        centers_ref[b] = centers
        inertia_ref[b] = acc.reshape(1, 1)


def kernel(x):
    c0 = _init_centers_like_ref(x)
    labels3, centers, inertia2 = pl.pallas_call(
        _kmeans_body,
        grid=(_BS // _BPG,),
        in_specs=[
            pl.BlockSpec((_BPG, _N, _D), lambda i: (i, 0, 0)),
            pl.BlockSpec((_BPG, _K, _D), lambda i: (i, 0, 0)),
        ],
        out_specs=[
            pl.BlockSpec((_BPG, 1, _N), lambda i: (i, 0, 0)),
            pl.BlockSpec((_BPG, _K, _D), lambda i: (i, 0, 0)),
            pl.BlockSpec((_BPG, 1, 1), lambda i: (i, 0, 0)),
        ],
        out_shape=[
            jax.ShapeDtypeStruct((_BS, 1, _N), jnp.int32),
            jax.ShapeDtypeStruct((_BS, _K, _D), jnp.float32),
            jax.ShapeDtypeStruct((_BS, 1, 1), jnp.float32),
        ],
        compiler_params=pltpu.CompilerParams(
            dimension_semantics=("parallel",)),
    )(x, c0)
    return labels3.reshape(_BS, _N), centers, inertia2.reshape(_BS)

# --- scband reference (transcript-rebuilt; emitter-appended) ---
"""Pipeline reference for scband-kmeans-16947940950566 (READ-ONLY COPY).

The authoritative reference and input builder live on the scoring server;
editing this copy changes nothing except your own understanding.
"""

import jax, jax.numpy as jnp
import numpy as np

BS, N, D, K = 8, 4096, 64, 512
MAX_ITER = 8
SEED = 123


def setup_inputs(seed: int = 0) -> dict:
    key = jax.random.key(seed)
    x = jax.random.normal(key, (BS, N, D), dtype=jnp.float32)
    return {"x": x}


def _init_centers(x, key):
    # 'rnd' init: choose K distinct points per batch instance as initial centers
    keys = jax.random.split(key, BS)

    def pick(xi, k):
        idx = jax.random.choice(k, N, shape=(K,), replace=False)
        return jnp.take(xi, idx, axis=0)

    return jax.vmap(pick)(x, keys)


def _sq_dists(x, centers):
    # squared L2 distances (p_norm=2) computed via matmul to keep memory O(B*N*K)
    x2 = jnp.sum(x * x, axis=-1)[:, :, None]            # (BS, N, 1)
    c2 = jnp.sum(centers * centers, axis=-1)[:, None, :]  # (BS, 1, K)
    xc = jnp.einsum('bnd,bkd->bnk', x, centers)          # (BS, N, K)
    return jnp.maximum(x2 + c2 - 2.0 * xc, 0.0)


def reference(x):
    key = jax.random.key(SEED)
    centers = _init_centers(x, key)  # (BS, K, D)
    for _ in range(MAX_ITER):
        d2 = _sq_dists(x, centers)                 # (BS, N, K)
        labels = jnp.argmin(d2, axis=-1)           # (BS, N)
        onehot = jax.nn.one_hot(labels, K, dtype=x.dtype)  # (BS, N, K)
        counts = jnp.sum(onehot, axis=1)           # (BS, K)
        sums = jnp.einsum('bnk,bnd->bkd', onehot, x)
        new_centers = sums / jnp.maximum(counts, 1.0)[:, :, None]
        # keep old center for empty clusters
        centers = jnp.where(counts[:, :, None] > 0, new_centers, centers)
    d2 = _sq_dists(x, centers)
    labels = jnp.argmin(d2, axis=-1)
    inertia = jnp.sum(jnp.min(d2, axis=-1), axis=-1)  # (BS,)
    return labels, centers, inertia

if __name__ == "__main__":
    import jax
    _d = setup_inputs()
    print(jax.jit(kernel)(*tuple(_d.values())))

</pallas_src>

<mosaic_0001>
module attributes {stable_mosaic.version = 14 : i64} {
  func.func @_kmeans_body(%arg0: i32, %arg1: memref<2x4096x64xf32, #tpu.memory_space<vmem>>, %arg2: memref<2x512x64xf32, #tpu.memory_space<vmem>>, %arg3: memref<2x1x4096xi32, #tpu.memory_space<vmem>>, %arg4: memref<2x512x64xf32, #tpu.memory_space<vmem>>, %arg5: memref<2x1x1xf32, #tpu.memory_space<vmem>>) attributes {dimension_semantics = [#tpu.dimension_semantics<parallel>], iteration_bounds = array<i64: 4>, scalar_prefetch = 0 : i64, scratch_operands = 0 : i64, tpu.core_type = #tpu.core_type<tc>, window_params = [{transform_indices = @transform_0, window_bounds = array<i64: 2, 4096, 64>}, {transform_indices = @transform_1, window_bounds = array<i64: 2, 512, 64>}, {transform_indices = @transform_2, window_bounds = array<i64: 2, 1, 4096>}, {transform_indices = @transform_3, window_bounds = array<i64: 2, 512, 64>}, {transform_indices = @transform_4, window_bounds = array<i64: 2, 1, 1>}]} {
    %iota3A = tpu.iota {dimensions = array<i32: 0>} : vector<512x4096xi32>
    %convert_element_type3A = arith.sitofp %iota3A : vector<512x4096xi32> to vector<512x4096xf32>
    %broadcast_in_dim3A = arith.constant 1.000000e+00 : f32
    %broadcast_in_dim3A_0 = vector.broadcast %broadcast_in_dim3A : f32 to vector<4096x1xf32>
    %get3A = arith.constant 0 : index
    %get3A_1 = arith.constant 0 : index
    %get3A_2 = arith.constant 0 : index
    %get3A_3 = vector.load %arg1[%get3A, %get3A_1, %get3A_2] : memref<2x4096x64xf32, #tpu.memory_space<vmem>>, vector<1x4096x64xf32>
    %get3A_4 = vector.shape_cast %get3A_3 : vector<1x4096x64xf32> to vector<4096x64xf32>
    %get3A_5 = arith.constant 1 : index
    %get3A_6 = arith.constant 0 : index
    %get3A_7 = arith.constant 0 : index
    %get3A_8 = vector.load %arg1[%get3A_5, %get3A_6, %get3A_7] : memref<2x4096x64xf32, #tpu.memory_space<vmem>>, vector<1x4096x64xf32>
    %get3A_9 = vector.shape_cast %get3A_8 : vector<1x4096x64xf32> to vector<4096x64xf32>
    %mul3A = arith.mulf %get3A_4, %get3A_4 : vector<4096x64xf32>
    %reduce_sum3A = arith.constant dense<0.000000e+00> : vector<4096xf32>
    %reduce_sum3A_10 = vector.multi_reduction <add>, %mul3A, %reduce_sum3A [1] : vector<4096x64xf32> to vector<4096xf32>
    %broadcast_in_dim3A_11 = vector.shape_cast %reduce_sum3A_10 : vector<4096xf32> to vector<4096x1xf32>
    %transpose3A = tpu.transpose %broadcast_in_dim3A_11, [1, 0] : vector<4096x1xf32> -> vector<1x4096xf32>
    %mul3A_12 = arith.mulf %get3A_9, %get3A_9 : vector<4096x64xf32>
    %reduce_sum3A_13 = arith.constant dense<0.000000e+00> : vector<4096xf32>
    %reduce_sum3A_14 = vector.multi_reduction <add>, %mul3A_12, %reduce_sum3A_13 [1] : vector<4096x64xf32> to vector<4096xf32>
    %broadcast_in_dim3A_15 = vector.shape_cast %reduce_sum3A_14 : vector<4096xf32> to vector<4096x1xf32>
    %transpose3A_16 = tpu.transpose %broadcast_in_dim3A_15, [1, 0] : vector<4096x1xf32> -> vector<1x4096xf32>
    %get3A_17 = arith.constant 0 : index
    %get3A_18 = arith.constant 0 : index
    %get3A_19 = arith.constant 0 : index
    %get3A_20 = vector.load %arg2[%get3A_17, %get3A_18, %get3A_19] : memref<2x512x64xf32, #tpu.memory_space<vmem>>, vector<1x512x64xf32>
    %get3A_21 = vector.shape_cast %get3A_20 : vector<1x512x64xf32> to vector<512x64xf32>
    %get3A_22 = arith.constant 1 : index
    %get3A_23 = arith.constant 0 : index
    %get3A_24 = arith.constant 0 : index
    %get3A_25 = vector.load %arg2[%get3A_22, %get3A_23, %get3A_24] : memref<2x512x64xf32, #tpu.memory_space<vmem>>, vector<1x512x64xf32>
    %get3A_26 = vector.shape_cast %get3A_25 : vector<1x512x64xf32> to vector<512x64xf32>
    %scan3A = arith.constant 0 : i32
    %scan3A_27 = arith.constant 8 : i32
    %scan3A_28 = arith.addi %scan3A, %scan3A_27 : i32
    %scan3A_29 = arith.constant 1 : i32
    %scan3A_30:2 = scf.for %scan3A_127 = %scan3A to %scan3A_28 step %scan3A_29 iter_args(%scan3A_128 = %get3A_21, %scan3A_129 = %get3A_26) -> (vector<512x64xf32>, vector<512x64xf32>)  : i32 {
      %mul3A_130 = arith.mulf %scan3A_128, %scan3A_128 : vector<512x64xf32>
      %reduce_sum3A_131 = arith.constant dense<0.000000e+00> : vector<512xf32>
      %reduce_sum3A_132 = vector.multi_reduction <add>, %mul3A_130, %reduce_sum3A_131 [1] : vector<512x64xf32> to vector<512xf32>
      %broadcast_in_dim3A_133 = vector.shape_cast %reduce_sum3A_132 : vector<512xf32> to vector<512x1xf32>
      %add3A_134 = arith.addf %scan3A_128, %scan3A_128 : vector<512x64xf32>
      %broadcast_in_dim3A_135 = arith.constant 0.000000e+00 : f32
      %broadcast_in_dim3A_136 = vector.broadcast %broadcast_in_dim3A_135 : f32 to vector<512x65xf32>
      %dot_general3A_137 = arith.constant dense<0.000000e+00> : vector<512x4096xf32>
      %dot_general3A_138 = tpu.matmul %add3A_134, %get3A_4, %dot_general3A_137 {dimension_numbers = #tpu.dot_dimension_numbers<[1], [1], [0], [0], [0, 0, 1, 0], [], []>, transpose_lhs_hint = false} : vector<512x64xf32>, vector<4096x64xf32>, vector<512x4096xf32> -> vector<512x4096xf32>
      %add3A_139 = vector.broadcast %transpose3A : vector<1x4096xf32> to vector<512x4096xf32>
      %add3A_140 = vector.broadcast %broadcast_in_dim3A_133 : vector<512x1xf32> to vector<512x4096xf32>
      %add3A_141 = arith.addf %add3A_139, %add3A_140 : vector<512x4096xf32>
      %sub3A_142 = arith.subf %add3A_141, %dot_general3A_138 : vector<512x4096xf32>
      %reduce_min3A_143 = arith.constant dense<0x7F800000> : vector<4096xf32>
      %reduce_min3A_144 = vector.multi_reduction <minimumf>, %sub3A_142, %reduce_min3A_143 [0] : vector<512x4096xf32> to vector<4096xf32>
      %broadcast_in_dim3A_145 = vector.shape_cast %reduce_min3A_144 : vector<4096xf32> to vector<1x4096xf32>
      %max3A_146 = arith.constant 0.000000e+00 : f32
      %max3A_147 = vector.broadcast %max3A_146 : f32 to vector<1x4096xf32>
      %max3A_148 = arith.maximumf %broadcast_in_dim3A_145, %max3A_147 : vector<1x4096xf32>
      %le3A_149 = vector.broadcast %max3A_148 : vector<1x4096xf32> to vector<512x4096xf32>
      %le3A_150 = arith.cmpf ole, %sub3A_142, %le3A_149 : vector<512x4096xf32>
      %jit3A_151 = arith.constant 5.120000e+02 : f32
      %broadcast_in_dim3A_152 = vector.broadcast %jit3A_151 : f32 to vector<512x4096xf32>
      %select_n3A_153 = arith.select %le3A_150, %convert_element_type3A, %broadcast_in_dim3A_152 : vector<512x4096xi1>, vector<512x4096xf32>
      %reduce_min3A_154 = arith.constant dense<0x7F800000> : vector<4096xf32>
      %reduce_min3A_155 = vector.multi_reduction <minimumf>, %select_n3A_153, %reduce_min3A_154 [0] : vector<512x4096xf32> to vector<4096xf32>
      %broadcast_in_dim3A_156 = vector.shape_cast %reduce_min3A_155 : vector<4096xf32> to vector<1x4096xf32>
      %eq3A = vector.broadcast %broadcast_in_dim3A_156 : vector<1x4096xf32> to vector<512x4096xf32>
      %eq3A_157 = arith.cmpf oeq, %select_n3A_153, %eq3A : vector<512x4096xf32>
      %convert_element_type3A_158 = arith.extui %eq3A_157 : vector<512x4096xi1> to vector<512x4096xi32>
      %convert_element_type3A_159 = arith.sitofp %convert_element_type3A_158 : vector<512x4096xi32> to vector<512x4096xf32>
      %concatenate3A = tpu.concatenate %get3A_4, %broadcast_in_dim3A_0 in 1 : vector<4096x64xf32>, vector<4096x1xf32> -> vector<4096x65xf32>
      %dot_general3A_160 = arith.constant dense<0.000000e+00> : vector<512x65xf32>
      %dot_general3A_161 = tpu.matmul %convert_element_type3A_159, %concatenate3A, %dot_general3A_160 {dimension_numbers = #tpu.dot_dimension_numbers<[1], [0], [0], [1], [0, 0, 1, 1], [], []>, transpose_lhs_hint = false} : vector<512x4096xf32>, vector<4096x65xf32>, vector<512x65xf32> -> vector<512x65xf32>
      %add3A_162 = arith.addf %broadcast_in_dim3A_136, %dot_general3A_161 : vector<512x65xf32>
      %slice3A = vector.extract_strided_slice %add3A_162 {offsets = [0, 0], sizes = [512, 64], strides = [1, 1]} : vector<512x65xf32> to vector<512x64xf32>
      %slice3A_163 = vector.extract_strided_slice %add3A_162 {offsets = [0, 64], sizes = [512, 1], strides = [1, 1]} : vector<512x65xf32> to vector<512x1xf32>
      %max3A_164 = arith.constant 1.000000e+00 : f32
      %max3A_165 = vector.broadcast %max3A_164 : f32 to vector<512x1xf32>
      %max3A_166 = arith.maximumf %slice3A_163, %max3A_165 : vector<512x1xf32>
      %div3A = vector.broadcast %max3A_166 : vector<512x1xf32> to vector<512x64xf32>
      %div3A_167 = arith.divf %slice3A, %div3A : vector<512x64xf32>
      %gt3A = arith.constant 0.000000e+00 : f32
      %gt3A_168 = vector.broadcast %gt3A : f32 to vector<512x1xf32>
      %gt3A_169 = arith.cmpf ogt, %slice3A_163, %gt3A_168 : vector<512x1xf32>
      %broadcast_in_dim3A_170 = vector.shape_cast %gt3A_169 : vector<512x1xi1> to vector<512x1xi1>
      %broadcast_in_dim3A_171 = vector.broadcast %broadcast_in_dim3A_170 : vector<512x1xi1> to vector<512x64xi1>
      %select_n3A_172 = arith.select %broadcast_in_dim3A_171, %div3A_167, %scan3A_128 : vector<512x64xi1>, vector<512x64xf32>
      %mul3A_173 = arith.mulf %scan3A_129, %scan3A_129 : vector<512x64xf32>
      %reduce_sum3A_174 = arith.constant dense<0.000000e+00> : vector<512xf32>
      %reduce_sum3A_175 = vector.multi_reduction <add>, %mul3A_173, %reduce_sum3A_174 [1] : vector<512x64xf32> to vector<512xf32>
      %broadcast_in_dim3A_176 = vector.shape_cast %reduce_sum3A_175 : vector<512xf32> to vector<512x1xf32>
      %add3A_177 = arith.addf %scan3A_129, %scan3A_129 : vector<512x64xf32>
      %broadcast_in_dim3A_178 = arith.constant 0.000000e+00 : f32
      %broadcast_in_dim3A_179 = vector.broadcast %broadcast_in_dim3A_178 : f32 to vector<512x65xf32>
      %dot_general3A_180 = arith.constant dense<0.000000e+00> : vector<512x4096xf32>
      %dot_general3A_181 = tpu.matmul %add3A_177, %get3A_9, %dot_general3A_180 {dimension_numbers = #tpu.dot_dimension_numbers<[1], [1], [0], [0], [0, 0, 1, 0], [], []>, transpose_lhs_hint = false} : vector<512x64xf32>, vector<4096x64xf32>, vector<512x4096xf32> -> vector<512x4096xf32>
      %add3A_182 = vector.broadcast %transpose3A_16 : vector<1x4096xf32> to vector<512x4096xf32>
      %add3A_183 = vector.broadcast %broadcast_in_dim3A_176 : vector<512x1xf32> to vector<512x4096xf32>
      %add3A_184 = arith.addf %add3A_182, %add3A_183 : vector<512x4096xf32>
      %sub3A_185 = arith.subf %add3A_184, %dot_general3A_181 : vector<512x4096xf32>
      %reduce_min3A_186 = arith.constant dense<0x7F800000> : vector<4096xf32>
      %reduce_min3A_187 = vector.multi_reduction <minimumf>, %sub3A_185, %reduce_min3A_186 [0] : vector<512x4096xf32> to vector<4096xf32>
      %broadcast_in_dim3A_188 = vector.shape_cast %reduce_min3A_187 : vector<4096xf32> to vector<1x4096xf32>
      %max3A_189 = arith.constant 0.000000e+00 : f32
      %max3A_190 = vector.broadcast %max3A_189 : f32 to vector<1x4096xf32>
      %max3A_191 = arith.maximumf %broadcast_in_dim3A_188, %max3A_190 : vector<1x4096xf32>
      %le3A_192 = vector.broadcast %max3A_191 : vector<1x4096xf32> to vector<512x4096xf32>
      %le3A_193 = arith.cmpf ole, %sub3A_185, %le3A_192 : vector<512x4096xf32>
      %jit3A_194 = arith.constant 5.120000e+02 : f32
      %broadcast_in_dim3A_195 = vector.broadcast %jit3A_194 : f32 to vector<512x4096xf32>
      %select_n3A_196 = arith.select %le3A_193, %convert_element_type3A, %broadcast_in_dim3A_195 : vector<512x4096xi1>, vector<512x4096xf32>
      %reduce_min3A_197 = arith.constant dense<0x7F800000> : vector<4096xf32>
      %reduce_min3A_198 = vector.multi_reduction <minimumf>, %select_n3A_196, %reduce_min3A_197 [0] : vector<512x4096xf32> to vector<4096xf32>
      %broadcast_in_dim3A_199 = vector.shape_cast %reduce_min3A_198 : vector<4096xf32> to vector<1x4096xf32>
      %eq3A_200 = vector.broadcast %broadcast_in_dim3A_199 : vector<1x4096xf32> to vector<512x4096xf32>
      %eq3A_201 = arith.cmpf oeq, %select_n3A_196, %eq3A_200 : vector<512x4096xf32>
      %convert_element_type3A_202 = arith.extui %eq3A_201 : vector<512x4096xi1> to vector<512x4096xi32>
      %convert_element_type3A_203 = arith.sitofp %convert_element_type3A_202 : vector<512x4096xi32> to vector<512x4096xf32>
      %concatenate3A_204 = tpu.concatenate %get3A_9, %broadcast_in_dim3A_0 in 1 : vector<4096x64xf32>, vector<4096x1xf32> -> vector<4096x65xf32>
      %dot_general3A_205 = arith.constant dense<0.000000e+00> : vector<512x65xf32>
      %dot_general3A_206 = tpu.matmul %convert_element_type3A_203, %concatenate3A_204, %dot_general3A_205 {dimension_numbers = #tpu.dot_dimension_numbers<[1], [0], [0], [1], [0, 0, 1, 1], [], []>, transpose_lhs_hint = false} : vector<512x4096xf32>, vector<4096x65xf32>, vector<512x65xf32> -> vector<512x65xf32>
      %add3A_207 = arith.addf %broadcast_in_dim3A_179, %dot_general3A_206 : vector<512x65xf32>
      %slice3A_208 = vector.extract_strided_slice %add3A_207 {offsets = [0, 0], sizes = [512, 64], strides = [1, 1]} : vector<512x65xf32> to vector<512x64xf32>
      %slice3A_209 = vector.extract_strided_slice %add3A_207 {offsets = [0, 64], sizes = [512, 1], strides = [1, 1]} : vector<512x65xf32> to vector<512x1xf32>
      %max3A_210 = arith.constant 1.000000e+00 : f32
      %max3A_211 = vector.broadcast %max3A_210 : f32 to vector<512x1xf32>
      %max3A_212 = arith.maximumf %slice3A_209, %max3A_211 : vector<512x1xf32>
      %div3A_213 = vector.broadcast %max3A_212 : vector<512x1xf32> to vector<512x64xf32>
      %div3A_214 = arith.divf %slice3A_208, %div3A_213 : vector<512x64xf32>
      %gt3A_215 = arith.constant 0.000000e+00 : f32
      %gt3A_216 = vector.broadcast %gt3A_215 : f32 to vector<512x1xf32>
      %gt3A_217 = arith.cmpf ogt, %slice3A_209, %gt3A_216 : vector<512x1xf32>
      %broadcast_in_dim3A_218 = vector.shape_cast %gt3A_217 : vector<512x1xi1> to vector<512x1xi1>
      %broadcast_in_dim3A_219 = vector.broadcast %broadcast_in_dim3A_218 : vector<512x1xi1> to vector<512x64xi1>
      %select_n3A_220 = arith.select %broadcast_in_dim3A_219, %div3A_214, %scan3A_129 : vector<512x64xi1>, vector<512x64xf32>
      scf.yield %select_n3A_172, %select_n3A_220 : vector<512x64xf32>, vector<512x64xf32>
    }
    %mul3A_31 = arith.mulf %scan3A_30#0, %scan3A_30#0 : vector<512x64xf32>
    %reduce_sum3A_32 = arith.constant dense<0.000000e+00> : vector<512xf32>
    %reduce_sum3A_33 = vector.multi_reduction <add>, %mul3A_31, %reduce_sum3A_32 [1] : vector<512x64xf32> to vector<512xf32>
    %broadcast_in_dim3A_34 = vector.shape_cast %reduce_sum3A_33 : vector<512xf32> to vector<512x1xf32>
    %add3A = arith.addf %scan3A_30#0, %scan3A_30#0 : vector<512x64xf32>
    %dot_general3A = arith.constant dense<0.000000e+00> : vector<512x4096xf32>
    %dot_general3A_35 = tpu.matmul %add3A, %get3A_4, %dot_general3A {dimension_numbers = #tpu.dot_dimension_numbers<[1], [1], [0], [0], [0, 0, 1, 0], [], []>, transpose_lhs_hint = false} : vector<512x64xf32>, vector<4096x64xf32>, vector<512x4096xf32> -> vector<512x4096xf32>
    %add3A_36 = vector.broadcast %transpose3A : vector<1x4096xf32> to vector<512x4096xf32>
    %add3A_37 = vector.broadcast %broadcast_in_dim3A_34 : vector<512x1xf32> to vector<512x4096xf32>
    %add3A_38 = arith.addf %add3A_36, %add3A_37 : vector<512x4096xf32>
    %sub3A = arith.subf %add3A_38, %dot_general3A_35 : vector<512x4096xf32>
    %reduce_min3A = arith.constant dense<0x7F800000> : vector<4096xf32>
    %reduce_min3A_39 = vector.multi_reduction <minimumf>, %sub3A, %reduce_min3A [0] : vector<512x4096xf32> to vector<4096xf32>
    %broadcast_in_dim3A_40 = vector.shape_cast %reduce_min3A_39 : vector<4096xf32> to vector<1x4096xf32>
    %max3A = arith.constant 0.000000e+00 : f32
    %max3A_41 = vector.broadcast %max3A : f32 to vector<1x4096xf32>
    %max3A_42 = arith.maximumf %broadcast_in_dim3A_40, %max3A_41 : vector<1x4096xf32>
    %le3A = vector.broadcast %max3A_42 : vector<1x4096xf32> to vector<512x4096xf32>
    %le3A_43 = arith.cmpf ole, %sub3A, %le3A : vector<512x4096xf32>
    %jit3A = arith.constant 5.120000e+02 : f32
    %broadcast_in_dim3A_44 = vector.broadcast %jit3A : f32 to vector<512x4096xf32>
    %select_n3A = arith.select %le3A_43, %convert_element_type3A, %broadcast_in_dim3A_44 : vector<512x4096xi1>, vector<512x4096xf32>
    %reduce_min3A_45 = arith.constant dense<0x7F800000> : vector<4096xf32>
    %reduce_min3A_46 = vector.multi_reduction <minimumf>, %select_n3A, %reduce_min3A_45 [0] : vector<512x4096xf32> to vector<4096xf32>
    %broadcast_in_dim3A_47 = vector.shape_cast %reduce_min3A_46 : vector<4096xf32> to vector<1x4096xf32>
    %convert_element_type3A_48 = arith.fptosi %broadcast_in_dim3A_47 : vector<1x4096xf32> to vector<1x4096xi32>
    %reshape3A = vector.shape_cast %convert_element_type3A_48 : vector<1x4096xi32> to vector<4096xi32>
    %swap3A = arith.constant 0 : index
    %swap3A_49 = arith.constant 0 : index
    %swap3A_50 = arith.constant 0 : index
    %swap3A_51 = vector.load %arg3[%swap3A, %swap3A_49, %swap3A_50] : memref<2x1x4096xi32, #tpu.memory_space<vmem>>, vector<1x1x4096xi32>
    %swap3A_52 = vector.shape_cast %swap3A_51 : vector<1x1x4096xi32> to vector<4096xi32>
    %swap3A_53 = vector.shape_cast %reshape3A : vector<4096xi32> to vector<1x1x4096xi32>
    tpu.vector_store %arg3[%swap3A, %swap3A_49, %swap3A_50], %swap3A_53 {strides = array<i32>} : memref<2x1x4096xi32, #tpu.memory_space<vmem>>, vector<1x1x4096xi32>,
    %reduce_sum3A_54 = vector.shape_cast %max3A_42 : vector<1x4096xf32> to vector<1x1x4096xf32>
    %reduce_sum3A_55 = arith.constant dense<0.000000e+00> : vector<1xf32>
    %reduce_sum3A_56 = vector.multi_reduction <add>, %reduce_sum3A_54, %reduce_sum3A_55 [1, 2] : vector<1x1x4096xf32> to vector<1xf32>
    %reduce_sum3A_57 = vector.shape_cast %reduce_sum3A_56 : vector<1xf32> to vector<1x1x1xf32>
    %reduce_sum3A_58 = vector.extract %reduce_sum3A_57[0, 0, 0] : f32 from vector<1x1x1xf32>
    %add3A_59 = arith.constant 0.000000e+00 : f32
    %add3A_60 = arith.addf %add3A_59, %reduce_sum3A_58 : f32
    %swap3A_61 = arith.constant 0 : index
    %swap3A_62 = arith.constant 0 : index
    %swap3A_63 = arith.constant 0 : index
    %swap3A_64 = vector.load %arg4[%swap3A_61, %swap3A_62, %swap3A_63] : memref<2x512x64xf32, #tpu.memory_space<vmem>>, vector<1x512x64xf32>
    %swap3A_65 = vector.shape_cast %swap3A_64 : vector<1x512x64xf32> to vector<512x64xf32>
    %swap3A_66 = vector.shape_cast %scan3A_30#0 : vector<512x64xf32> to vector<1x512x64xf32>
    tpu.vector_store %arg4[%swap3A_61, %swap3A_62, %swap3A_63], %swap3A_66 {strides = array<i32>} : memref<2x512x64xf32, #tpu.memory_space<vmem>>, vector<1x512x64xf32>,
    %reshape3A_67 = vector.broadcast %add3A_60 : f32 to vector<1x1xf32>
    %swap3A_68 = arith.constant 0 : index
    %swap3A_69 = arith.constant 0 : index
    %swap3A_70 = arith.constant 0 : index
    %swap3A_71 = vector.load %arg5[%swap3A_68, %swap3A_69, %swap3A_70] : memref<2x1x1xf32, #tpu.memory_space<vmem>>, vector<1x1x1xf32>
    %swap3A_72 = vector.shape_cast %swap3A_71 : vector<1x1x1xf32> to vector<1x1xf32>
    %swap3A_73 = vector.shape_cast %reshape3A_67 : vector<1x1xf32> to vector<1x1x1xf32>
    tpu.vector_store %arg5[%swap3A_68, %swap3A_69, %swap3A_70], %swap3A_73 {strides = array<i32>} : memref<2x1x1xf32, #tpu.memory_space<vmem>>, vector<1x1x1xf32>,
    %mul3A_74 = arith.mulf %scan3A_30#1, %scan3A_30#1 : vector<512x64xf32>
    %reduce_sum3A_75 = arith.constant dense<0.000000e+00> : vector<512xf32>
    %reduce_sum3A_76 = vector.multi_reduction <add>, %mul3A_74, %reduce_sum3A_75 [1] : vector<512x64xf32> to vector<512xf32>
    %broadcast_in_dim3A_77 = vector.shape_cast %reduce_sum3A_76 : vector<512xf32> to vector<512x1xf32>
    %add3A_78 = arith.addf %scan3A_30#1, %scan3A_30#1 : vector<512x64xf32>
    %dot_general3A_79 = arith.constant dense<0.000000e+00> : vector<512x4096xf32>
    %dot_general3A_80 = tpu.matmul %add3A_78, %get3A_9, %dot_general3A_79 {dimension_numbers = #tpu.dot_dimension_numbers<[1], [1], [0], [0], [0, 0, 1, 0], [], []>, transpose_lhs_hint = false} : vector<512x64xf32>, vector<4096x64xf32>, vector<512x4096xf32> -> vector<512x4096xf32>
    %add3A_81 = vector.broadcast %transpose3A_16 : vector<1x4096xf32> to vector<512x4096xf32>
    %add3A_82 = vector.broadcast %broadcast_in_dim3A_77 : vector<512x1xf32> to vector<512x4096xf32>
    %add3A_83 = arith.addf %add3A_81, %add3A_82 : vector<512x4096xf32>
    %sub3A_84 = arith.subf %add3A_83, %dot_general3A_80 : vector<512x4096xf32>
    %reduce_min3A_85 = arith.constant dense<0x7F800000> : vector<4096xf32>
    %reduce_min3A_86 = vector.multi_reduction <minimumf>, %sub3A_84, %reduce_min3A_85 [0] : vector<512x4096xf32> to vector<4096xf32>
    %broadcast_in_dim3A_87 = vector.shape_cast %reduce_min3A_86 : vector<4096xf32> to vector<1x4096xf32>
    %max3A_88 = arith.constant 0.000000e+00 : f32
    %max3A_89 = vector.broadcast %max3A_88 : f32 to vector<1x4096xf32>
    %max3A_90 = arith.maximumf %broadcast_in_dim3A_87, %max3A_89 : vector<1x4096xf32>
    %le3A_91 = vector.broadcast %max3A_90 : vector<1x4096xf32> to vector<512x4096xf32>
    %le3A_92 = arith.cmpf ole, %sub3A_84, %le3A_91 : vector<512x4096xf32>
    %jit3A_93 = arith.constant 5.120000e+02 : f32
    %broadcast_in_dim3A_94 = vector.broadcast %jit3A_93 : f32 to vector<512x4096xf32>
    %select_n3A_95 = arith.select %le3A_92, %convert_element_type3A, %broadcast_in_dim3A_94 : vector<512x4096xi1>, vector<512x4096xf32>
    %reduce_min3A_96 = arith.constant dense<0x7F800000> : vector<4096xf32>
    %reduce_min3A_97 = vector.multi_reduction <minimumf>, %select_n3A_95, %reduce_min3A_96 [0] : vector<512x4096xf32> to vector<4096xf32>
    %broadcast_in_dim3A_98 = vector.shape_cast %reduce_min3A_97 : vector<4096xf32> to vector<1x4096xf32>
    %convert_element_type3A_99 = arith.fptosi %broadcast_in_dim3A_98 : vector<1x4096xf32> to vector<1x4096xi32>
    %reshape3A_100 = vector.shape_cast %convert_element_type3A_99 : vector<1x4096xi32> to vector<4096xi32>
    %swap3A_101 = arith.constant 1 : index
    %swap3A_102 = arith.constant 0 : index
    %swap3A_103 = arith.constant 0 : index
    %swap3A_104 = vector.load %arg3[%swap3A_101, %swap3A_102, %swap3A_103] : memref<2x1x4096xi32, #tpu.memory_space<vmem>>, vector<1x1x4096xi32>
    %swap3A_105 = vector.shape_cast %swap3A_104 : vector<1x1x4096xi32> to vector<4096xi32>
    %swap3A_106 = vector.shape_cast %reshape3A_100 : vector<4096xi32> to vector<1x1x4096xi32>
    tpu.vector_store %arg3[%swap3A_101, %swap3A_102, %swap3A_103], %swap3A_106 {strides = array<i32>} : memref<2x1x4096xi32, #tpu.memory_space<vmem>>, vector<1x1x4096xi32>,
    %reduce_sum3A_107 = vector.shape_cast %max3A_90 : vector<1x4096xf32> to vector<1x1x4096xf32>
    %reduce_sum3A_108 = arith.constant dense<0.000000e+00> : vector<1xf32>
    %reduce_sum3A_109 = vector.multi_reduction <add>, %reduce_sum3A_107, %reduce_sum3A_108 [1, 2] : vector<1x1x4096xf32> to vector<1xf32>
    %reduce_sum3A_110 = vector.shape_cast %reduce_sum3A_109 : vector<1xf32> to vector<1x1x1xf32>
    %reduce_sum3A_111 = vector.extract %reduce_sum3A_110[0, 0, 0] : f32 from vector<1x1x1xf32>
    %add3A_112 = arith.constant 0.000000e+00 : f32
    %add3A_113 = arith.addf %add3A_112, %reduce_sum3A_111 : f32
    %swap3A_114 = arith.constant 1 : index
    %swap3A_115 = arith.constant 0 : index
    %swap3A_116 = arith.constant 0 : index
    %swap3A_117 = vector.load %arg4[%swap3A_114, %swap3A_115, %swap3A_116] : memref<2x512x64xf32, #tpu.memory_space<vmem>>, vector<1x512x64xf32>
    %swap3A_118 = vector.shape_cast %swap3A_117 : vector<1x512x64xf32> to vector<512x64xf32>
    %swap3A_119 = vector.shape_cast %scan3A_30#1 : vector<512x64xf32> to vector<1x512x64xf32>
    tpu.vector_store %arg4[%swap3A_114, %swap3A_115, %swap3A_116], %swap3A_119 {strides = array<i32>} : memref<2x512x64xf32, #tpu.memory_space<vmem>>, vector<1x512x64xf32>,
    %reshape3A_120 = vector.broadcast %add3A_113 : f32 to vector<1x1xf32>
    %swap3A_121 = arith.constant 1 : index
    %swap3A_122 = arith.constant 0 : index
    %swap3A_123 = arith.constant 0 : index
    %swap3A_124 = vector.load %arg5[%swap3A_121, %swap3A_122, %swap3A_123] : memref<2x1x1xf32, #tpu.memory_space<vmem>>, vector<1x1x1xf32>
    %swap3A_125 = vector.shape_cast %swap3A_124 : vector<1x1x1xf32> to vector<1x1xf32>
    %swap3A_126 = vector.shape_cast %reshape3A_120 : vector<1x1xf32> to vector<1x1x1xf32>
    tpu.vector_store %arg5[%swap3A_121, %swap3A_122, %swap3A_123], %swap3A_126 {strides = array<i32>} : memref<2x1x1xf32, #tpu.memory_space<vmem>>, vector<1x1x1xf32>,
    return
  }
  func.func @transform_0(%arg0: i32) -> (i32, i32, i32) {
    %c0_i32 = arith.constant 0 : i32
    %c0_i32_0 = arith.constant 0 : i32
    %c0_i32_1 = arith.constant 0 : i32
    return %arg0, %c0_i32, %c0_i32_0 : i32, i32, i32
  }
  func.func @transform_1(%arg0: i32) -> (i32, i32, i32) {
    %c0_i32 = arith.constant 0 : i32
    %c0_i32_0 = arith.constant 0 : i32
    %c0_i32_1 = arith.constant 0 : i32
    return %arg0, %c0_i32, %c0_i32_0 : i32, i32, i32
  }
  func.func @transform_2(%arg0: i32) -> (i32, i32, i32) {
    %c0_i32 = arith.constant 0 : i32
    %c0_i32_0 = arith.constant 0 : i32
    %c0_i32_1 = arith.constant 0 : i32
    return %arg0, %c0_i32, %c0_i32_0 : i32, i32, i32
  }
  func.func @transform_3(%arg0: i32) -> (i32, i32, i32) {
    %c0_i32 = arith.constant 0 : i32
    %c0_i32_0 = arith.constant 0 : i32
    %c0_i32_1 = arith.constant 0 : i32
    return %arg0, %c0_i32, %c0_i32_0 : i32, i32, i32
  }
  func.func @transform_4(%arg0: i32) -> (i32, i32, i32) {
    %c0_i32 = arith.constant 0 : i32
    %c0_i32_0 = arith.constant 0 : i32
    %c0_i32_1 = arith.constant 0 : i32
    return %arg0, %c0_i32, %c0_i32_0 : i32, i32, i32
  }
}

</mosaic_0001>

<sc_bundles>
// kernel: gather_offload_async_start
scs
__scs_entry_jumppad:
0x0: {  	(pc) =	sbr.rel $0x88, $3  }
0x1: {  	(tag) =	ssettag $0x0;
	lr =	simm.s32 $0x1  }
0x2: {  	[smem:$0x3FA0] =	sst lr;
	_ =	strace $0xD0000000  }
0x3: {  	_ = 	snop  }
0x4: {  	_ = 	snop  }
0x5: {  	_ = 	snop  }
0x6: {  	_ = 	snop  }
0x7: {  	_ = 	snop  }
__scs_overlays_trampoline_lowered:
0x8: {  	[smem:$0x3FAF] =	sst s0  }
0x9: {  	[smem:$0x3FB0] =	sst s1  }
0xa: {  	[smem:$0x3FB1] =	sst s2  }
0xb: {  	[smem:$0x3FB2] =	sst s3  }
0xc: {  	[smem:$0x3FB3] =	sst s4  }
0xd: {  	[smem:$0x3FB4] =	sst s5  }
0xe: {  	[smem:$0x3FB5] =	sst s6  }
0xf: {  	[smem:$0x3FB6] =	sst s7  }
0x10: {  	[smem:$0x3FB7] =	sst s8  }
0x11: {  	[smem:$0x3FB8] =	sst s9;
	s0 =	simm.s32 @!p0 $0x0  }
0x12: {  	s1 =	sld [smem:$0x3F9E];
	s0 =	simm.s32 @p0 $0x1  }
0x13: {  	[smem:$0x3FB9] =	sst s0;
	s0 =	simm.s32 @!p1 $0x0  }
0x14: {  	s2 =	sld [smem:$0x3F9D];
	s0 =	simm.s32 @p1 $0x1  }
0x15: {  	[smem:$0x3FBA] =	sst s0;
	s0 =	simm.s32 @!p2 $0x0  }
0x16: {  	s3 =	sld [smem:$0x3FDB];
	s0 =	simm.s32 @p2 $0x1  }
0x17: {  	s4 =	simm.s32 $0x1BF5;
	[smem:$0x3FBC] =	sst s0  }
0x18: {  	s0 =	sld [smem:$0x3F9F];
	_ =	swait.ge [sflag:s4], $0x0  }
0x19: {  	s7 =	sld [smem:$0x3FA0]  }
0x1a: {  	s8 =	sadd.s32 $0xFFFFE003, lr  }
0x1b: {  	s9 =	sadd.s32 $0xFFFFFEF7, lr;
	s5 =	simm.s32 $0xFFFFFFFF;
	p2 =	slt.u32 s8, $0xFFFFF086  }
0x1c: {  	p1 =	slt.u32 s9, $0xF7A;
	s5 =	simm.s32 @!p2 $0x0  }
0x1d: {  	s5 =	simm.s32 @p1 $0x1;
	p0 =	seq.s32 s7, s2  }
0x1e: {  	s7 =	smul.u32 @!p0 $0xF7A, s2;
	p2 =	seq.s32 @!p0 s5, $0x0  }
0x1f: {  	s9 =	smul.u32 $0xF7A, s1;
	s8 =	simm.s32 @!p0 $0x1BF5;
	p2 =	por !p2, p0  }
0x20: {  	[sflag:s8] =	ssyncset.s32 @!p0 $0xFFFFF086;
	s6 =	sadd.s32 @!p0 s3, s7;
	s7 =	simm.s32 @!p0 $0x108  }
0x21: {  	s3 =	sadd.s32 s3, s9;
	s6 =	sadd.s32 @!p0 $0x88, s6;
	s7 =	simm.s32 @p2 $0x1082  }
0x22: {  	[simem:s7], [sflag:s8] =	dma.local @!p0 [hbm:s6], $0xF7A  }
0x23: {  	s9 =	sor.u32 $0xD0000000, s2;
	s6 =	simm.s32 $0x108;
	_ =	swait.ge @!p0 [sflag:s8], $0x0  }
0x24: {  	s3 =	sadd.s32 $0x88, s3;
	s6 =	simm.s32 @!p1 $0x1082;
	[sflag:s4] =	ssyncset.s32 $0xFFFFF086  }
0x25: {  	[simem:s6], [sflag:s4] =	dma.local [hbm:s3], $0xF7A  }
0x26: {  	[smem:$0x3FA0] =	sst s1;
	(tag) =	ssettag s2;
	_ =	strace s9  }
0x27: {  	s1 =	sld [smem:$0x3FB0]  }
0x28: {  	s2 =	sld [smem:$0x3FB1]  }
0x29: {  	s4 =	sld [smem:$0x3FB3]  }
0x2a: {  	p0 =	seq.s32 s5, $0x0;
	s5 =	sld [smem:$0x3FB4]  }
0x2b: {  	s6 =	sld [smem:$0x3FB5]  }
0x2c: {  	s7 =	sld [smem:$0x3FB6]  }
0x2d: {  	s3 =	simm.s32 $0x108;
	s8 =	sld [smem:$0x3FB7]  }
0x2e: {  	s3 =	simm.s32 @!p0 $0x1082;
	s9 =	sld [smem:$0x3FB8]  }
0x2f: {  	lr =	sadd.s32 s0, s3;
	s0 =	sld [smem:$0x3FAF]  }
0x30: {  	s3 =	sld [smem:$0x3FB2]  }
0x31: {  	[smem:$0x3FBB] =	sst s10  }
0x32: {  	s10 =	sld [smem:$0x3FB9];
	_ =	sdelay $0x3  }
0x33: {  	p0 =	seq.s32 s10, $0x1;
	s10 =	sld [smem:$0x3FBB];
	_ =	sdelay $0x3  }
0x34: {  	[smem:$0x3FBB] =	sst s10  }
0x35: {  	s10 =	sld [smem:$0x3FBA];
	_ =	sdelay $0x3  }
0x36: {  	p1 =	seq.s32 s10, $0x1;
	s10 =	sld [smem:$0x3FBB];
	_ =	sdelay $0x3  }
0x37: {  	[smem:$0x3FBB] =	sst s10  }
0x38: {  	s10 =	sld [smem:$0x3FBC]  }
0x39: {  	_ = 	snop;
	(pc) =	sbr.ind lr, $3  }
0x3a: {  	_ = 	snop  }
0x3b: {  	_ = 	snop  }
0x3c: {  	p2 =	seq.s32 s10, $0x1;
	s10 =	sld [smem:$0x3FBB]  }
0x3d: {  	_ =	shalt  }
0x3e: {  	_ =	shalt  }
0x3f: {  	_ =	shalt  }
0x40: {  	_ =	shalt  }
0x41: {  	_ =	shalt  }
0x42: {  	_ =	shalt  }
0x43: {  	_ =	shalt  }
0x44: {  	_ =	shalt  }
0x45: {  	_ =	shalt  }
0x46: {  	_ =	shalt  }
0x47: {  	_ =	shalt  }
0x48: {  	_ =	shalt  }
0x49: {  	_ =	shalt  }
0x4a: {  	_ =	shalt  }
0x4b: {  	_ =	shalt  }
0x4c: {  	_ =	shalt  }
0x4d: {  	_ =	shalt  }
0x4e: {  	_ =	shalt  }
0x4f: {  	_ =	shalt  }
0x50: {  	_ =	shalt  }
0x51: {  	_ =	shalt  }
0x52: {  	_ =	shalt  }
0x53: {  	_ =	shalt  }
0x54: {  	_ =	shalt  }
0x55: {  	_ =	shalt  }
0x56: {  	_ =	shalt  }
0x57: {  	_ =	shalt  }
0x58: {  	_ =	shalt  }
0x59: {  	_ =	shalt  }
0x5a: {  	_ =	shalt  }
0x5b: {  	_ =	shalt  }
0x5c: {  	_ =	shalt  }
0x5d: {  	_ =	shalt  }
0x5e: {  	_ =	shalt  }
0x5f: {  	_ =	shalt  }
0x60: {  	_ =	shalt  }
0x61: {  	_ =	shalt  }
0x62: {  	_ =	shalt  }
0x63: {  	_ =	shalt  }
0x64: {  	_ =	shalt  }
0x65: {  	_ =	shalt  }
0x66: {  	_ =	shalt  }
0x67: {  	_ =	shalt  }
0x68: {  	_ =	shalt  }
0x69: {  	_ =	shalt  }
0x6a: {  	_ =	shalt  }
0x6b: {  	_ =	shalt  }
0x6c: {  	_ =	shalt  }
0x6d: {  	_ =	shalt  }
0x6e: {  	_ =	shalt  }
0x6f: {  	_ =	shalt  }
0x70: {  	_ =	shalt  }
0x71: {  	_ =	shalt  }
0x72: {  	_ =	shalt  }
0x73: {  	_ =	shalt  }
0x74: {  	_ =	shalt  }
0x75: {  	_ =	shalt  }
0x76: {  	_ =	shalt  }
0x77: {  	_ =	shalt  }
0x78: {  	_ =	shalt  }
0x79: {  	_ =	shalt  }
0x7a: {  	_ =	shalt  }
0x7b: {  	_ =	shalt  }
0x7c: {  	_ =	shalt  }
0x7d: {  	_ =	shalt  }
0x7e: {  	_ =	shalt  }
0x7f: {  	_ =	shalt  }
0x80: {  	_ =	shalt  }
0x81: {  	_ =	shalt  }
0x82: {  	_ =	shalt  }
0x83: {  	_ =	shalt  }
0x84: {  	_ =	shalt  }
0x85: {  	_ =	shalt  }
0x86: {  	_ =	shalt  }
0x87: {  	_ =	shalt  }
.Lfunc_end0:
.L_simem_size_0:
called_computation_lowered:
.L_overlay_start_0:
0x88: {  	s2 =	sld [smem:$0x3FD9]  }
0x89: {  	s3 =	sld [smem:$0x3FFE];
	_ =	sdelay $0x1  }
0x8a: {  	s1 =	srdreg.scid  }
0x8b: {  	s0 =	sand.u32 $0x1, s1  }
0x8c: {  	s14 =	sshll.u32 s0, $0xA;
	s2 =	sadd.s32 s3, s2  }
0x8d: {  	s2 =	sadd.s32 s2, s14  }
0x8e: {  	[smem:$0x3FC7] =	sst s2  }
0x8f: {  	_ = 	snop  }
0x90: {  	s2 =	sld [smem:$0x3FD0];
	_ =	sdelay $0x2  }
0x91: {  	s15 =	simm.s32 $0xA;
	s4 =	simm.s32 $0x10  }
0x92: {  	[smem:s4], [sflag:s15] =	dma.local [hbm:s2], $0x1  }
0x93: {  	_ =	swait.eq [sflag:s15], $0x1  }
0x94: {  	[sflag:s15] =	ssyncset.done $0x0  }
0x95: {  	[sflag:s15] =	ssyncadd.s32 $0xFFFFFFFF  }
0x96: {  	s16 =	sld [smem:$0x10];
	(tm) =	ssettm $0x1  }
0x97: {  	s17 =	sld [smem:$0x3FFB];
	_ =	sdelay $0x3  }
0x98: {  	_ =	strace s17  }
0x99: {  	s3 =	sld [smem:$0x3FFC];
	_ =	sdelay $0x3  }
0x9a: {  	_ =	strace s3  }
0x9b: {  	s3 =	sld [smem:$0x3FFD];
	_ =	sdelay $0x3  }
0x9c: {  	_ =	strace s3  }
0x9d: {  	_ =	strace $0x8FFFFFFF  }
0x9e: {  	s18 =	sld [smem:$0x3FDB];
	_ =	sdelay $0x1  }
0x9f: {  	s19 =	simm.s32 $_scs_section_size  }
0xa0: {  	s5 =	simm.s32 $_size__tile_overlayer_lowered;
	s6 =	simm.s32 $_tile_overlayer_lowered  }
0xa1: {  	s22 =	simm.s32 $0x1BFF;
	s21 =	sshll.u32 s6, $0x1;
	s3 =	sadd.s32 s19, s18  }
0xa2: {  	s7 =	simm.s32 $0x0;
	s20 =	sshll.u32 s5, $0x1;
	s5 =	sadd.s32 s21, s3  }
0xa3: {  	[timem:s7], [sflag:s22] =	dma.local [hbm:s5], s20  }
0xa4: {  	_ =	swait.ge [sflag:s22], s20  }
0xa5: {  	s4 =	ssub.s32 $0x0, s20;
	[sflag:s22] =	ssyncset.done $0x0  }
0xa6: {  	[sflag:s22] =	ssyncadd.s32 s4;
	_ =	sdelay $0x1  }
0xa7: {  	s23 =	simm.s32 $0x1B8B  }
0xa8: {  	_ =	swait.ge [sflag:s23], $0x1  }
0xa9: {  	[sflag:s23] =	ssyncset.done $0x0  }
0xaa: {  	s25 =	simm.s32 $0x1B8E;
	s24 =	sld [smem:$0x3FFE];
	[sflag:s23] =	ssyncadd.s32 $0xFFFFFFFF  }
0xab: {  	s26 =	simm.s32 $execute0_lowered;
	[smem:$0x3FD2] =	sst s25  }
0xac: {  	s5 =	sshll.u32 s26, $0x1;
	_ =	strace $0x80000046;
	[dreg:$0x1] =	wrdreg $0xFFFFFFFF  }
0xad: {  	s28 =	simm.s32 $_size_execute0_lowered;
	s3 =	sadd.s32 s3, s5;
	[dreg:$0x0] =	wrdreg $0x0  }
0xae: {  	s5 =	sshll.u32 s28, $0x1;
	[dreg:$0x2] =	wrdreg s3  }
0xaf: {  	[dreg:$0x3] =	wrdreg s5  }
0xb0: {  	[dreg:$0x4] =	wrdreg $0xC0  }
0xb1: {  	_ =	task [dreg:s7], $0x5FFFF  }
0xb2: {  	[dreg:$0x1] =	wrdreg $0xFFFFFFFF  }
0xb3: {  	[dreg:$0x0] =	wrdreg $0x60  }
0xb4: {  	[dreg:$0x2] =	wrdreg s24  }
0xb5: {  	[dreg:$0x3] =	wrdreg s16  }
0xb6: {  	[dreg:$0x4] =	wrdreg $0x9  }
0xb7: {  	_ =	task.clear_ibuf [dreg:s7], $0x5FFFF;
	_ =	strace $0x90000046  }
0xb8: {  	s29 =	simm.s32 $0x9;
	_ =	strace $0x80000048  }
0xb9: {  	_ =	swait.ge [sflag:s29], $0x1  }
0xba: {  	[sflag:s29] =	ssyncadd.s32 $0xFFFFFFFF  }
0xbb: {  	_ =	strace $0x90000048  }
0xbc: {  	_ =	sfence  }
0xbd: {  	s30 =	sld [smem:$0x0];
	_ =	sdelay $0x2  }
0xbe: {  	s31 =	sshll.u32 s1, $0xD;
	s1 =	sshrl.u32 s1, $0x2  }
0xbf: {  	s3 =	sand.u32 $0x4000, s31;
	s1 =	sadd.s32 s1, s30  }
0xc0: {  	s0 =	sor.u32 s3, s0;
	s1 =	sshll.u32 s1, $0x11  }
0xc1: {  	s0 =	sor.u32 s1, s0  }
0xc2: {  	s0 =	sadd.s32 $0x8F2B, s0  }
0xc3: {  	[sflag:s0] =	ssyncadd.remote.s32 $0x1  }
0xc4: {  	_ =	sfence.sel $0xFFFF  }
0xc5: {  	[dreg:$0x0] =	wrdreg $0xFFFFFFFF;
	(pc) =	sbr.abs _section_cstart, $3  }
0xc6: {  	[dreg:$0x1] =	wrdreg $0xFFFFFFFF  }
0xc7: {  	_ =	task.clear_ibuf [dreg:s7], $0x2FFFF;
	_ =	strace $0x9FFFFFFF  }
0xc8: {  	(tm) =	ssettm $0x7FFFFFFF  }
0xc9: {  	_ =	shalt  }
tec
execute0_lowered:
.L_overlay_start_1:
0x0: {  	(tag) =	ssettag $0x1  }
0x1: {  	s2 =	rddreg [dreg:$0x0]  }
0x2: {  	s3 =	rddreg [dreg:$0x1]  }
0x3: {  	s0 =	rddreg [dreg:$0x2];
	s1 =	srdreg.scid;
	_ =	strace $0x80000047  }
0x4: {  	s4 =	simm.s32 $0x1;
	s9 =	simm.s32 $0x3;
	s5 =	sshll.u32 s1, $0x4  }
.Ltmp0:
0x5: {  	s1 =	stileid.u32;
	s5 =	sand.u32 $0x10, s5;
	(pc) =	sbr.rel .LBB2_1-.Ltmp0, $4  }
0x6: {  	s12 =	simm.s32 $0x0;
	s10 =	simm.s32 $0x0;
	s6 =	sor.u32 s1, s5  }
0x7: {  	[sflag:s4] =	ssyncpa.u1 $0x0;
	s5 =	simm.s32 $0x2;
	s6 =	sshll.u32 s6, $0x7  }
0x8: {  	s7 =	sadd.s32 $0x80000, s2;
	[sflag:s5] =	ssyncpa.u1 $0x0;
	s8 =	sadd.s32 $0x80, s6  }
0x9: {  	vm0 =	vmmov $0xff;
	vm1 =	vcmask $0x3F20;
	[sflag:s9] =	ssyncpa.u1 $0x0;
	s9 =	simm.s32 $0x80;
	s11 =	smov.u32 s6  }
.LBB2_9:
0xa: {  	p0 =	seq.s32 s10, $0x2  }
.Ltmp1:
0xb: {  	_ = 	snop;
	(pc) =	sbr.rel @p0 .LBB2_11-.Ltmp1, $1  }
0xc: {  	_ =	sdelay $0x3  }
.LBB2_10:
0xd: {  	s12 =	sadd.s32 $0x80, s11  }
0xe: {  	s13 =	smov.u32 s6;
	p0 =	slt.s32 s12, s8  }
0xf: {  	s13 =	smov.u32 @p0 s12  }
0x10: {  	s10 =	sadd.s32 $0x1, s10;
	s12 =	smov.u32 s11;
	s11 =	smov.u32 s13  }
.LBB2_1:
0x11: {  	p0 =	sne.s32 s10, $0x0  }
.Ltmp2:
0x12: {  	_ = 	snop;
	(pc) =	sbr.rel @!p0 .LBB2_2-.Ltmp2, $1  }
0x13: {  	_ =	sdelay $0x3  }
0x14: {  	s13 =	sand.u32 $0x1, s10  }
0x15: {  	p0 =	seq.s32 s13, $0x0  }
.Ltmp3:
0x16: {  	_ = 	snop;
	(pc) =	sbr.rel @p0 .LBB2_9-.Ltmp3, $1  }
0x17: {  	_ =	sdelay $0x3  }
0x18: {  	_ =	swait.ge [sflag:s5], $0x80  }
0x19: {  	[sflag:s5] =	ssyncset.done $0x0  }
0x1a: {  	s13 =	simm.s32 $0x0;
	[sflag:s5] =	ssyncadd.s32 $0xFFFFFF80  }
0x1b: {  	v0 =	vld.msk [tilespmem:s13+$0x80 ss:$0x1], $0xffff;
	_ =	sdelay $0x4  }
0x1c: {  	v1 =	vshll.u32 v0, $0x4  }
0x1d: {  	vm2 =	veq.s32 v0, $0x80000000;
	v0 =	vshll.u32 v0, $0x13;
	v1 =	vand.u32 $0x7FF80, v1  }
0x1e: {  	v0 =	vand.u32 $0x380000, v0;
	v1 =	vsel vm2, $0xFFFFFF80, v1  }
0x1f: {  	v0 =	vsel vm2, $0xFFF80000, v0;
	v2 =	vand.u32 $0xFFFFFC00, v1  }
0x20: {  	v1 =	vand.u32 $0x380, v1;
	v0 =	vadd.s32 v0, v2  }
0x21: {  	v0 =	vor.u32 v1, v0  }
0x22: {  	v0 =	vshrl.u32 v0, $0x3;
	_ =	sdelay $0x3  }
0x23: {  	s13 =	simm.s32 $0x4100  }
0x24: {  	[tilespmem:s13], [sflag:$0x1] =	stream.indirect_vreg.gather [hbm:s2], $0x80, v0, vm0, $0x38;
	[tilespmem:$0x8100] =	vst v63  }
0x25: {  	s14 =	simm.s32 $0x4500;
	s31 =	simm.s32 $0x10  }
0x26: {  	[tilespmem:s14], [sflag:$0x1] =	stream.indirect_vreg.gather [hbm:s2], $0x80, v0, vm1, $0x38;
	[tilespmem:$0x8100] =	vst v63  }
0x27: {  	s14 =	simm.s32 $0x80;
	v0 =	vld.msk [tilespmem:s31+$0x80 ss:$0x1], $0xffff  }
.LBB2_5:
0x28: {  	p0 =	sne.s32 s14, $0x1C0;
	_ =	sdelay $0x4  }
0x29: {  	v1 =	vshll.u32 v0, $0x4  }
0x2a: {  	vm2 =	veq.s32 v0, $0x80000000;
	v0 =	vshll.u32 v0, $0x13;
	v1 =	vand.u32 $0x7FF80, v1  }
0x2b: {  	v0 =	vand.u32 $0x380000, v0;
	v1 =	vsel vm2, $0xFFFFFF80, v1  }
0x2c: {  	v0 =	vsel vm2, $0xFFF80000, v0;
	v2 =	vand.u32 $0xFFFFFC00, v1  }
0x2d: {  	v1 =	vand.u32 $0x380, v1;
	v0 =	vadd.s32 v0, v2  }
0x2e: {  	v0 =	vor.u32 v1, v0  }
0x2f: {  	v0 =	vshrl.u32 v0, $0x3;
	_ =	sdelay $0x3  }
.Ltmp4:
0x30: {  	s13 =	sadd.s32 $0x800, s13;
	(pc) =	sbr.rel @p0 .LBB2_5-.Ltmp4, $4  }
0x31: {  	[tilespmem:s13], [sflag:$0x1] =	stream.indirect_vreg.gather [hbm:s2], $0x80, v0, vm0, $0x38;
	[tilespmem:$0x8100] =	vst v63  }
0x32: {  	s15 =	sshra.s32 s14, $0x2;
	s16 =	sadd.s32 $0x400, s13  }
0x33: {  	[tilespmem:s16], [sflag:$0x1] =	stream.indirect_vreg.gather [hbm:s2], $0x80, v0, vm1, $0x38;
	[tilespmem:$0x8100] =	vst v63  }
0x34: {  	s14 =	sadd.s32 $0x40, s14;
	v0 =	vld.msk [tilespmem:s15+$0x80 ss:$0x1], $0xffff  }
0x35: {  	_ =	sdelay $0x3  }
0x36: {  	v1 =	vshll.u32 v0, $0x4  }
0x37: {  	vm2 =	veq.s32 v0, $0x80000000;
	v63 =	vshll.u32 v0, $0x13;
	v1 =	vand.u32 $0x7FF80, v1  }
0x38: {  	v0 =	vand.u32 $0x380000, v63;
	v1 =	vsel vm2, $0xFFFFFF80, v1  }
0x39: {  	v0 =	vsel vm2, $0xFFF80000, v0;
	v2 =	vand.u32 $0xFFFFFC00, v1  }
0x3a: {  	v1 =	vand.u32 $0x380, v1;
	v0 =	vadd.s32 v0, v2  }
0x3b: {  	v0 =	vor.u32 v1, v0  }
0x3c: {  	v0 =	vshrl.u32 v0, $0x3;
	_ =	sdelay $0x3  }
0x3d: {  	s13 =	sadd.s32 $0x800, s13  }
0x3e: {  	[tilespmem:s13], [sflag:$0x1] =	stream.indirect_vreg.gather [hbm:s2], $0x80, v0, vm0, $0x38;
	[tilespmem:$0x8100] =	vst v63  }
0x3f: {  	s13 =	sadd.s32 $0x400, s13  }
0x40: {  	[tilespmem:s13], [sflag:$0x1] =	stream.indirect_vreg.gather [hbm:s2], $0x80, v0, vm1, $0x38;
	[tilespmem:$0x8100] =	vst v63  }
0x41: {  	s12 =	sshll.u32 s12, $0x4;
	s14 =	simm.s32 $0x80;
	_ =	swait.ge [sflag:s4], $0x4000  }
0x42: {  	s15 =	simm.s32 $0x4500;
	s12 =	sadd.s32 s12, s7;
	[sflag:s4] =	ssyncset.done $0x0  }
0x43: {  	s16 =	sadd.s32 $0x0, s12;
	s13 =	simm.s32 $0x4100;
	[sflag:s4] =	ssyncadd.s32 $0xFFFFC000  }
.LBB2_7:
0x44: {  	[hbm:s16] =	stream.linear.scatter [tilespmem:s13], [sflag:$0x3], $0x400, $0x38;
	[tilespmem:$0x8100] =	vst v63  }
0x45: {  	s16 =	smov.u32 s14;
	s13 =	smov.u32 s15;
	p0 =	sne.s32 s14, $0x780  }
.Ltmp5:
0x46: {  	s14 =	sadd.s32 $0x80, s14;
	(pc) =	sbr.rel @p0 .LBB2_7-.Ltmp5, $2  }
0x47: {  	_ =	sdelay $0x2  }
0x48: {  	s15 =	sadd.s32 $0x400, s15;
	s16 =	sadd.s32 s16, s12  }
.Ltmp6:
0x49: {  	(pc) =	sbr.rel .LBB2_9-.Ltmp6, $2  }
0x4a: {  	_ =	sdelay $0x2  }
0x4b: {  	[hbm:s16] =	stream.linear.scatter [tilespmem:s13], [sflag:$0x3], $0x400, $0x38;
	[tilespmem:$0x8100] =	vst v63  }
.LBB2_2:
.Ltmp7:
0x4c: {  	(pc) =	sbr.rel .LBB2_10-.Ltmp7, $4  }
0x4d: {  	_ = 	snop  }
0x4e: {  	s12 =	sshrl.u32 s11, $0x3  }
0x4f: {  	s13 =	sand.u32 $0x7, s11;
	s12 =	sadd.s32 s3, s12  }
0x50: {  	[tilespmem:s9], [sflag:$0x2] =	stream.linear.gather [hbm4b:s12+s13], $0x80, $0x38;
	[tilespmem:$0x8100] =	vst v63  }
.LBB2_11:
0x51: {  	s2 =	simm.s32 $0x3  }
0x52: {  	_ =	swait.ge [sflag:s2], $0x4000  }
0x53: {  	[sflag:s2] =	ssyncset.done $0x0  }
0x54: {  	[sflag:s2] =	ssyncadd.s32 $0xFFFFC000  }
0x55: {  	_ =	sfence.sel $0x180000  }
0x56: {  	s3 =	simm.s32 $0x2;
	[bflag:$0x0] =	sbarrier.arrive $0xFFFF  }
0x57: {  	[sflag:s3] =	ssyncpa.u1 $0x1  }
0x58: {  	s31 =	simm.s32 $0x1;
	[sflag:s2] =	ssyncpa.u1 $0x1  }
0x59: {  	[sflag:s31] =	ssyncpa.u1 $0x1  }
0x5a: {  	p0 =	sne.s32 s1, $0x0;
	_ =	strace $0x90000047  }
0x5b: {  	s0 =	sadd.s32 @!p0 $0x100000, s0;
	[bflag:$0x2] =	sbarrier.arrive $0xFFFF  }
0x5c: {  	[sflag:s0] =	ssyncadd.tile.s32 @!p0 $0x1;
	_ =	shalt  }
.Lfunc_end2:
_tile_overlayer_lowered:
.L_overlay_start_2:
0x5d: {  	(tag) =	ssettag $0x2  }
0x5e: {  	s0 =	rddreg [dreg:$0x0];
	s2 =	stileid.u32  }
0x5f: {  	s1 =	rddreg [dreg:$0x1];
	p0 =	sne.s32 s2, $0x0  }
0x60: {  	s3 =	rddreg [dreg:$0x2];
	[bflag:$0x3] =	sbarrier.arrive $0xFFFF;
	s2 =	simm.s32 @!p0 $0x1C01  }
0x61: {  	[timem:s3], [sflag:s2] =	dma.local @!p0 [hbm:s0], s1  }
0x62: {  	s0 =	simm.s32 @!p0 $0x1  }
0x63: {  	_ =	swait.ge @!p0 [sflag:s0], s1  }
0x64: {  	s1 =	ssub.s32 @!p0 $0x0, s1;
	[sflag:s0] =	ssyncset.done @!p0 $0x0  }
0x65: {  	[sflag:s0] =	ssyncadd.s32 @!p0 s1  }
0x66: {  	[bflag:$0x3] =	sbarrier.arrive $0xFFFF  }
0x67: {  	_ =	shalt  }

</sc_bundles>
